<compile_context>
chip_gen: v7x
topology: tpu7x:2x2x1
jax: 0.10.2.dev20260603
libtpu: 0.0.44.dev20260713+nightly
codegen_flags: <defaults>
</compile_context>

<pallas_src>
import functools

import jax
import jax.numpy as jnp
from jax import lax
from jax.experimental import pallas as pl
from jax.experimental.pallas import tpu as pltpu
from jax.experimental.pallas import tpu_sc as plsc

B = 16384
F = 26
V = 100000
D = 32

NC = 2
NS = 16
NW = NC * NS

NPAIR = F * D
PER_W = NPAIR // NW
NCHUNK = 4
CB = B // NCHUNK

assert NPAIR % NW == 0
assert B % (NCHUNK * 16) == 0

_mesh = plsc.VectorSubcoreMesh(core_axis_name="c", subcore_axis_name="s")


@functools.partial(
    pl.kernel,
    mesh=_mesh,
    compiler_params=pltpu.CompilerParams(needs_layout_passes=False),
    out_type=jax.ShapeDtypeStruct((F, D, B), jnp.float32),
    scratch_types=[
        pltpu.VMEM((8, 12416), jnp.float32),
        pltpu.VMEM((B,), jnp.int32),
        pltpu.VMEM((CB,), jnp.float32),
        pltpu.VMEM((CB,), jnp.float32),
        pltpu.SemaphoreType.DMA,
        pltpu.SemaphoreType.DMA,
    ],
)
def _lookup_kernel(xt_hbm, tt_hbm, out_hbm, tab_v, idx_v, out0_v, out1_v,
                   sem0, sem1):
    obuf = (out0_v, out1_v)
    osem = (sem0, sem1)
    nc = lax.axis_index("c")
    ns = lax.axis_index("s")
    wid = ns * NC + nc
    p0 = wid * PER_W

    def _pair(t, f_prev):
        p = p0 + t
        f = lax.div(p, D)
        d = lax.rem(p, D)

        @pl.when(f != f_prev)
        def _():
            pltpu.sync_copy(xt_hbm.at[f], idx_v)

        dg = lax.mul(lax.div(d, 8), jnp.int32(8))
        pltpu.sync_copy(tt_hbm.at[f, pl.ds(dg, 8), pl.ds(0, 12416)], tab_v)

        for c in range(NCHUNK):
            bbuf = c % 2
            dst = out_hbm.at[f, d, pl.ds(c * CB, CB)]

            def _drain(dst=dst, bbuf=bbuf):
                pltpu.make_async_copy(obuf[bbuf], dst, osem[bbuf]).wait()

            if c < 2:
                pl.when(t > 0)(_drain)
            else:
                _drain()

            @plsc.parallel_loop(0, 0, unroll=16)
            def _grp(j, c=c, bbuf=bbuf):
                idx = idx_v[pl.ds(c * CB + j * 16, 16)]
                obuf[bbuf][pl.ds(j * 16, 16)] = idx.astype(jnp.float32)
            pltpu.async_copy(obuf[bbuf], dst, osem[bbuf])
        return f

    lax.fori_loop(0, PER_W, _pair, jnp.int32(-1))

    for bbuf in range(2):
        pltpu.make_async_copy(
            obuf[bbuf], out_hbm.at[0, 0, pl.ds(0, CB)], osem[bbuf]).wait()


def kernel(x, tables):
    xt = x.T
    tt = tables.transpose(0, 2, 1)
    ot = _lookup_kernel(xt, tt)
    return ot.transpose(2, 0, 1)

# --- scband reference (transcript-rebuilt; emitter-appended) ---
"""Pipeline reference for scband-embedding-field-76098230550704 (READ-ONLY COPY).

The authoritative reference and input builder live on the scoring server;
editing this copy changes nothing except your own understanding.
"""

import jax, jax.numpy as jnp
import numpy as np

BATCH = 16384
NUM_FIELDS = 26
VOCAB = 100000
EMBED_DIM = 32


def setup_inputs(seed: int = 0) -> dict:
    key = jax.random.key(seed)
    kx, kt = jax.random.split(key)
    # indices: one index column per field (Split slices x column-wise into 26 [B,1] bags)
    x = jax.random.randint(kx, (BATCH, NUM_FIELDS), 0, VOCAB, dtype=jnp.int32)
    # per-field EmbeddingBag weight tables, stacked since all fields share vocab size
    tables = jax.random.normal(kt, (NUM_FIELDS, VOCAB, EMBED_DIM), dtype=jnp.float32) * 0.02
    return {"x": x, "tables": tables}


def reference(x, tables):
    # Faithful to embedding_field.forward:
    #   LIST = Split(x) -> 26 chunks of shape [B, 1]
    #   each chunk -> EmbeddingBag(num, embed_dim) with default mode='mean'
    #   stack -> [F, B, D]; transpose(0,1) -> [B, F, D]
    B, F = x.shape
    outs = []
    for f in range(F):
        bag = x[:, f:f + 1]                      # [B, 1] bag of size 1
        emb = jnp.take(tables[f], bag, axis=0)   # [B, 1, D] gather
        outs.append(jnp.mean(emb, axis=1))       # EmbeddingBag mean -> [B, D]
    stacked = jnp.stack(outs, axis=0)            # [F, B, D]
    return jnp.transpose(stacked, (1, 0, 2))     # [B, F, D]

if __name__ == "__main__":
    import jax
    _d = setup_inputs()
    print(jax.jit(kernel)(*tuple(_d.values())))

</pallas_src>

<mosaic_0001>
#map = affine_map<(d0, d1) -> (0, 0)>
#map1 = affine_map<(d0, d1) -> (0, 0, 0)>
module attributes {stable_mosaic.version = 14 : i64} {
  func.func @_lookup_kernel(%arg0: i32, %arg1: i32, %arg2: memref<26x16384xi32, #tpu.memory_space<hbm>>, %arg3: memref<26x32x100000xf32, #tpu.memory_space<hbm>>, %arg4: memref<26x32x16384xf32, #tpu.memory_space<hbm>>, %arg5: memref<8x12416xf32, #tpu.memory_space<vmem>>, %arg6: memref<16384xi32, #tpu.memory_space<vmem>>, %arg7: memref<4096xf32, #tpu.memory_space<vmem>>, %arg8: memref<4096xf32, #tpu.memory_space<vmem>>, %arg9: memref<!tpu.dma_semaphore, #tpu.memory_space<semaphore_mem>>, %arg10: memref<!tpu.dma_semaphore, #tpu.memory_space<semaphore_mem>>) attributes {dimension_semantics = [#tpu.dimension_semantics<core_parallel>, #tpu.dimension_semantics<subcore_parallel>], iteration_bounds = array<i64: 2, 16>, scalar_prefetch = 0 : i64, scratch_operands = 6 : i64, tpu.core_type = #tpu.core_type<sc_vector_subcore>, window_params = [{transform_indices = #map}, {transform_indices = #map1}, {transform_indices = #map1}]} {
    %mul3A = arith.constant 2 : i32
    %mul3A_0 = arith.muli %arg1, %mul3A : i32
    %add3A = arith.addi %mul3A_0, %arg0 : i32
    %mul3A_1 = arith.constant 26 : i32
    %mul3A_2 = arith.muli %add3A, %mul3A_1 : i32
    %scan3A = arith.constant -1 : i32
    %scan3A_3 = arith.constant 0 : i32
    %scan3A_4 = arith.constant 26 : i32
    %scan3A_5 = arith.addi %scan3A_3, %scan3A_4 : i32
    %scan3A_6 = arith.constant 1 : i32
    %scan3A_7 = scf.for %scan3A_24 = %scan3A_3 to %scan3A_5 step %scan3A_6 iter_args(%scan3A_25 = %scan3A) -> (i32)  : i32 {
      %add3A_26 = arith.addi %mul3A_2, %scan3A_24 : i32
      %div3A = arith.constant 32 : i32
      %div3A_27 = arith.divsi %add3A_26, %div3A : i32
      %rem3A = arith.constant 32 : i32
      %rem3A_28 = arith.remsi %add3A_26, %rem3A : i32
      %ne3A = arith.cmpi ne, %div3A_27, %scan3A_25 : i32
      %convert_element_type3A = arith.extui %ne3A : i1 to i32
      %cond3A = arith.constant 0 : i32
      %cond3A_29 = arith.cmpi ne, %convert_element_type3A, %cond3A : i32
      scf.if %cond3A_29 {
        "tpu.region"() ({
          %run_scoped3A = tpu.sem_alloc : memref<!tpu.dma_semaphore, #tpu.memory_space<semaphore_mem>>
          %dma_start3A_89 = arith.constant 0 : i32
          %dma_start3A_90 = tpu.memref_slice %arg2[%div3A_27, %dma_start3A_89] : memref<26x16384xi32, #tpu.memory_space<hbm>> -> memref<1x16384xi32, #tpu.memory_space<hbm>>
          %dma_start3A_91 = tpu.memref_squeeze %dma_start3A_90 : memref<1x16384xi32, #tpu.memory_space<hbm>> -> memref<16384xi32, #tpu.memory_space<hbm>>
          %dma_start3A_92 = arith.constant 0 : i32
          %dma_start3A_93 = tpu.memref_slice %arg2[%div3A_27, %dma_start3A_92] : memref<26x16384xi32, #tpu.memory_space<hbm>> -> memref<1x16384xi32, #tpu.memory_space<hbm>>
          %dma_start3A_94 = tpu.memref_squeeze %dma_start3A_93 : memref<1x16384xi32, #tpu.memory_space<hbm>> -> memref<16384xi32, #tpu.memory_space<hbm>>
          tpu.enqueue_dma source(%dma_start3A_94 : memref<16384xi32, #tpu.memory_space<hbm>>) target(%arg6 : memref<16384xi32, #tpu.memory_space<vmem>>) target_semaphore(%run_scoped3A : memref<!tpu.dma_semaphore, #tpu.memory_space<semaphore_mem>>)
          %dma_wait3A_95 = arith.constant 0 : i32
          %dma_wait3A_96 = tpu.memref_slice %arg2[%div3A_27, %dma_wait3A_95] : memref<26x16384xi32, #tpu.memory_space<hbm>> -> memref<1x16384xi32, #tpu.memory_space<hbm>>
          %dma_wait3A_97 = tpu.memref_squeeze %dma_wait3A_96 : memref<1x16384xi32, #tpu.memory_space<hbm>> -> memref<16384xi32, #tpu.memory_space<hbm>>
          %dma_wait3A_98 = arith.constant 0 : i32
          %dma_wait3A_99 = tpu.memref_slice %arg2[%div3A_27, %dma_wait3A_98] : memref<26x16384xi32, #tpu.memory_space<hbm>> -> memref<1x16384xi32, #tpu.memory_space<hbm>>
          %dma_wait3A_100 = tpu.memref_squeeze %dma_wait3A_99 : memref<1x16384xi32, #tpu.memory_space<hbm>> -> memref<16384xi32, #tpu.memory_space<hbm>>
          tpu.wait_dma2 semaphore(%run_scoped3A : memref<!tpu.dma_semaphore, #tpu.memory_space<semaphore_mem>>) src(%dma_wait3A_100 : memref<16384xi32, #tpu.memory_space<hbm>>) dst(%arg6 : memref<16384xi32, #tpu.memory_space<vmem>>)
          tpu.yield
        }) : () -> ()
      } else {
      }
      %div3A_30 = arith.constant 8 : i32
      %div3A_31 = arith.divsi %rem3A_28, %div3A_30 : i32
      %mul3A_32 = arith.constant 8 : i32
      %mul3A_33 = arith.muli %div3A_31, %mul3A_32 : i32
      "tpu.region"() ({
        %run_scoped3A = tpu.sem_alloc : memref<!tpu.dma_semaphore, #tpu.memory_space<semaphore_mem>>
        %dma_start3A_89 = arith.constant 0 : i32
        %dma_start3A_90 = tpu.memref_slice %arg3[%div3A_27, %mul3A_33, %dma_start3A_89] : memref<26x32x100000xf32, #tpu.memory_space<hbm>> -> memref<1x8x12416xf32, #tpu.memory_space<hbm>>
        %dma_start3A_91 = tpu.memref_squeeze %dma_start3A_90 : memref<1x8x12416xf32, #tpu.memory_space<hbm>> -> memref<8x12416xf32, #tpu.memory_space<hbm>>
        %dma_start3A_92 = arith.constant 0 : i32
        %dma_start3A_93 = tpu.memref_slice %arg3[%div3A_27, %mul3A_33, %dma_start3A_92] : memref<26x32x100000xf32, #tpu.memory_space<hbm>> -> memref<1x8x12416xf32, #tpu.memory_space<hbm>>
        %dma_start3A_94 = tpu.memref_squeeze %dma_start3A_93 : memref<1x8x12416xf32, #tpu.memory_space<hbm>> -> memref<8x12416xf32, #tpu.memory_space<hbm>>
        tpu.enqueue_dma source(%dma_start3A_94 : memref<8x12416xf32, #tpu.memory_space<hbm>>) target(%arg5 : memref<8x12416xf32, #tpu.memory_space<vmem>>) target_semaphore(%run_scoped3A : memref<!tpu.dma_semaphore, #tpu.memory_space<semaphore_mem>>)
        %dma_wait3A_95 = arith.constant 0 : i32
        %dma_wait3A_96 = tpu.memref_slice %arg3[%div3A_27, %mul3A_33, %dma_wait3A_95] : memref<26x32x100000xf32, #tpu.memory_space<hbm>> -> memref<1x8x12416xf32, #tpu.memory_space<hbm>>
        %dma_wait3A_97 = tpu.memref_squeeze %dma_wait3A_96 : memref<1x8x12416xf32, #tpu.memory_space<hbm>> -> memref<8x12416xf32, #tpu.memory_space<hbm>>
        %dma_wait3A_98 = arith.constant 0 : i32
        %dma_wait3A_99 = tpu.memref_slice %arg3[%div3A_27, %mul3A_33, %dma_wait3A_98] : memref<26x32x100000xf32, #tpu.memory_space<hbm>> -> memref<1x8x12416xf32, #tpu.memory_space<hbm>>
        %dma_wait3A_100 = tpu.memref_squeeze %dma_wait3A_99 : memref<1x8x12416xf32, #tpu.memory_space<hbm>> -> memref<8x12416xf32, #tpu.memory_space<hbm>>
        tpu.wait_dma2 semaphore(%run_scoped3A : memref<!tpu.dma_semaphore, #tpu.memory_space<semaphore_mem>>) src(%dma_wait3A_100 : memref<8x12416xf32, #tpu.memory_space<hbm>>) dst(%arg5 : memref<8x12416xf32, #tpu.memory_space<vmem>>)
        tpu.yield
      }) : () -> ()
      %gt3A = arith.constant 0 : i32
      %gt3A_34 = arith.cmpi sgt, %scan3A_24, %gt3A : i32
      %convert_element_type3A_35 = arith.extui %gt3A_34 : i1 to i32
      %cond3A_36 = arith.constant 0 : i32
      %cond3A_37 = arith.cmpi ne, %convert_element_type3A_35, %cond3A_36 : i32
      scf.if %cond3A_37 {
        %dma_wait3A_89 = arith.constant 0 : i32
        %dma_wait3A_90 = tpu.memref_slice %arg4[%div3A_27, %rem3A_28, %dma_wait3A_89] : memref<26x32x16384xf32, #tpu.memory_space<hbm>> -> memref<1x1x4096xf32, #tpu.memory_space<hbm>>
        %dma_wait3A_91 = tpu.memref_squeeze %dma_wait3A_90 : memref<1x1x4096xf32, #tpu.memory_space<hbm>> -> memref<4096xf32, #tpu.memory_space<hbm>>
        %dma_wait3A_92 = arith.constant 0 : i32
        %dma_wait3A_93 = tpu.memref_slice %arg4[%div3A_27, %rem3A_28, %dma_wait3A_92] : memref<26x32x16384xf32, #tpu.memory_space<hbm>> -> memref<1x1x4096xf32, #tpu.memory_space<hbm>>
        %dma_wait3A_94 = tpu.memref_squeeze %dma_wait3A_93 : memref<1x1x4096xf32, #tpu.memory_space<hbm>> -> memref<4096xf32, #tpu.memory_space<hbm>>
        tpu.wait_dma2 semaphore(%arg9 : memref<!tpu.dma_semaphore, #tpu.memory_space<semaphore_mem>>) src(%arg7 : memref<4096xf32, #tpu.memory_space<vmem>>) dst(%dma_wait3A_94 : memref<4096xf32, #tpu.memory_space<hbm>>)
      } else {
      }
      %parallel_loop3A = arith.constant 0 : i32
      %parallel_loop3A_38 = arith.constant 0 : i32
      %parallel_loop3A_39 = arith.constant 1 : i32
      scf.for %parallel_loop3A_89 = %parallel_loop3A to %parallel_loop3A_38 step %parallel_loop3A_39  : i32 {
        %parallel_loop3A_90 = arith.constant 16 : i32
        %parallel_loop3A_91 = arith.muli %parallel_loop3A_89, %parallel_loop3A_90 : i32
        %parallel_loop3A_92 = arith.constant 0 : i32
        %parallel_loop3A_93 = arith.addi %parallel_loop3A_92, %parallel_loop3A_91 : i32
        %parallel_loop3A_94 = arith.index_cast %parallel_loop3A_93 : i32 to index
        %parallel_loop3A_95 = tpu.vector_load %arg6[%parallel_loop3A_94] {strides = array<i32>} : memref<16384xi32, #tpu.memory_space<vmem>>, vector<16xi32>,
        %parallel_loop3A_96 = arith.sitofp %parallel_loop3A_95 : vector<16xi32> to vector<16xf32>
        %parallel_loop3A_97 = arith.constant 16 : i32
        %parallel_loop3A_98 = arith.muli %parallel_loop3A_89, %parallel_loop3A_97 : i32
        %parallel_loop3A_99 = arith.index_cast %parallel_loop3A_98 : i32 to index
        %parallel_loop3A_100 = tpu.vector_load %arg7[%parallel_loop3A_99] {strides = array<i32>} : memref<4096xf32, #tpu.memory_space<vmem>>, vector<16xf32>,
        tpu.vector_store %arg7[%parallel_loop3A_99], %parallel_loop3A_96 {strides = array<i32>} : memref<4096xf32, #tpu.memory_space<vmem>>, vector<16xf32>,
      } {sc.loop_unroll_factor = 16 : i64, sc.parallel_access}
      %dma_start3A = arith.constant 0 : i32
      %dma_start3A_40 = tpu.memref_slice %arg4[%div3A_27, %rem3A_28, %dma_start3A] : memref<26x32x16384xf32, #tpu.memory_space<hbm>> -> memref<1x1x4096xf32, #tpu.memory_space<hbm>>
      %dma_start3A_41 = tpu.memref_squeeze %dma_start3A_40 : memref<1x1x4096xf32, #tpu.memory_space<hbm>> -> memref<4096xf32, #tpu.memory_space<hbm>>
      %dma_start3A_42 = arith.constant 0 : i32
      %dma_start3A_43 = tpu.memref_slice %arg4[%div3A_27, %rem3A_28, %dma_start3A_42] : memref<26x32x16384xf32, #tpu.memory_space<hbm>> -> memref<1x1x4096xf32, #tpu.memory_space<hbm>>
      %dma_start3A_44 = tpu.memref_squeeze %dma_start3A_43 : memref<1x1x4096xf32, #tpu.memory_space<hbm>> -> memref<4096xf32, #tpu.memory_space<hbm>>
      tpu.enqueue_dma source(%arg7 : memref<4096xf32, #tpu.memory_space<vmem>>) target(%dma_start3A_44 : memref<4096xf32, #tpu.memory_space<hbm>>) target_semaphore(%arg9 : memref<!tpu.dma_semaphore, #tpu.memory_space<semaphore_mem>>)
      %gt3A_45 = arith.constant 0 : i32
      %gt3A_46 = arith.cmpi sgt, %scan3A_24, %gt3A_45 : i32
      %convert_element_type3A_47 = arith.extui %gt3A_46 : i1 to i32
      %cond3A_48 = arith.constant 0 : i32
      %cond3A_49 = arith.cmpi ne, %convert_element_type3A_47, %cond3A_48 : i32
      scf.if %cond3A_49 {
        %dma_wait3A_89 = arith.constant 4096 : i32
        %dma_wait3A_90 = tpu.memref_slice %arg4[%div3A_27, %rem3A_28, %dma_wait3A_89] : memref<26x32x16384xf32, #tpu.memory_space<hbm>> -> memref<1x1x4096xf32, #tpu.memory_space<hbm>>
        %dma_wait3A_91 = tpu.memref_squeeze %dma_wait3A_90 : memref<1x1x4096xf32, #tpu.memory_space<hbm>> -> memref<4096xf32, #tpu.memory_space<hbm>>
        %dma_wait3A_92 = arith.constant 4096 : i32
        %dma_wait3A_93 = tpu.memref_slice %arg4[%div3A_27, %rem3A_28, %dma_wait3A_92] : memref<26x32x16384xf32, #tpu.memory_space<hbm>> -> memref<1x1x4096xf32, #tpu.memory_space<hbm>>
        %dma_wait3A_94 = tpu.memref_squeeze %dma_wait3A_93 : memref<1x1x4096xf32, #tpu.memory_space<hbm>> -> memref<4096xf32, #tpu.memory_space<hbm>>
        tpu.wait_dma2 semaphore(%arg10 : memref<!tpu.dma_semaphore, #tpu.memory_space<semaphore_mem>>) src(%arg8 : memref<4096xf32, #tpu.memory_space<vmem>>) dst(%dma_wait3A_94 : memref<4096xf32, #tpu.memory_space<hbm>>)
      } else {
      }
      %parallel_loop3A_50 = arith.constant 0 : i32
      %parallel_loop3A_51 = arith.constant 0 : i32
      %parallel_loop3A_52 = arith.constant 1 : i32
      scf.for %parallel_loop3A_89 = %parallel_loop3A_50 to %parallel_loop3A_51 step %parallel_loop3A_52  : i32 {
        %parallel_loop3A_90 = arith.constant 16 : i32
        %parallel_loop3A_91 = arith.muli %parallel_loop3A_89, %parallel_loop3A_90 : i32
        %parallel_loop3A_92 = arith.constant 4096 : i32
        %parallel_loop3A_93 = arith.addi %parallel_loop3A_92, %parallel_loop3A_91 : i32
        %parallel_loop3A_94 = arith.index_cast %parallel_loop3A_93 : i32 to index
        %parallel_loop3A_95 = tpu.vector_load %arg6[%parallel_loop3A_94] {strides = array<i32>} : memref<16384xi32, #tpu.memory_space<vmem>>, vector<16xi32>,
        %parallel_loop3A_96 = arith.sitofp %parallel_loop3A_95 : vector<16xi32> to vector<16xf32>
        %parallel_loop3A_97 = arith.constant 16 : i32
        %parallel_loop3A_98 = arith.muli %parallel_loop3A_89, %parallel_loop3A_97 : i32
        %parallel_loop3A_99 = arith.index_cast %parallel_loop3A_98 : i32 to index
        %parallel_loop3A_100 = tpu.vector_load %arg8[%parallel_loop3A_99] {strides = array<i32>} : memref<4096xf32, #tpu.memory_space<vmem>>, vector<16xf32>,
        tpu.vector_store %arg8[%parallel_loop3A_99], %parallel_loop3A_96 {strides = array<i32>} : memref<4096xf32, #tpu.memory_space<vmem>>, vector<16xf32>,
      } {sc.loop_unroll_factor = 16 : i64, sc.parallel_access}
      %dma_start3A_53 = arith.constant 4096 : i32
      %dma_start3A_54 = tpu.memref_slice %arg4[%div3A_27, %rem3A_28, %dma_start3A_53] : memref<26x32x16384xf32, #tpu.memory_space<hbm>> -> memref<1x1x4096xf32, #tpu.memory_space<hbm>>
      %dma_start3A_55 = tpu.memref_squeeze %dma_start3A_54 : memref<1x1x4096xf32, #tpu.memory_space<hbm>> -> memref<4096xf32, #tpu.memory_space<hbm>>
      %dma_start3A_56 = arith.constant 4096 : i32
      %dma_start3A_57 = tpu.memref_slice %arg4[%div3A_27, %rem3A_28, %dma_start3A_56] : memref<26x32x16384xf32, #tpu.memory_space<hbm>> -> memref<1x1x4096xf32, #tpu.memory_space<hbm>>
      %dma_start3A_58 = tpu.memref_squeeze %dma_start3A_57 : memref<1x1x4096xf32, #tpu.memory_space<hbm>> -> memref<4096xf32, #tpu.memory_space<hbm>>
      tpu.enqueue_dma source(%arg8 : memref<4096xf32, #tpu.memory_space<vmem>>) target(%dma_start3A_58 : memref<4096xf32, #tpu.memory_space<hbm>>) target_semaphore(%arg10 : memref<!tpu.dma_semaphore, #tpu.memory_space<semaphore_mem>>)
      %dma_wait3A_59 = arith.constant 8192 : i32
      %dma_wait3A_60 = tpu.memref_slice %arg4[%div3A_27, %rem3A_28, %dma_wait3A_59] : memref<26x32x16384xf32, #tpu.memory_space<hbm>> -> memref<1x1x4096xf32, #tpu.memory_space<hbm>>
      %dma_wait3A_61 = tpu.memref_squeeze %dma_wait3A_60 : memref<1x1x4096xf32, #tpu.memory_space<hbm>> -> memref<4096xf32, #tpu.memory_space<hbm>>
      %dma_wait3A_62 = arith.constant 8192 : i32
      %dma_wait3A_63 = tpu.memref_slice %arg4[%div3A_27, %rem3A_28, %dma_wait3A_62] : memref<26x32x16384xf32, #tpu.memory_space<hbm>> -> memref<1x1x4096xf32, #tpu.memory_space<hbm>>
      %dma_wait3A_64 = tpu.memref_squeeze %dma_wait3A_63 : memref<1x1x4096xf32, #tpu.memory_space<hbm>> -> memref<4096xf32, #tpu.memory_space<hbm>>
      tpu.wait_dma2 semaphore(%arg9 : memref<!tpu.dma_semaphore, #tpu.memory_space<semaphore_mem>>) src(%arg7 : memref<4096xf32, #tpu.memory_space<vmem>>) dst(%dma_wait3A_64 : memref<4096xf32, #tpu.memory_space<hbm>>)
      %parallel_loop3A_65 = arith.constant 0 : i32
      %parallel_loop3A_66 = arith.constant 0 : i32
      %parallel_loop3A_67 = arith.constant 1 : i32
      scf.for %parallel_loop3A_89 = %parallel_loop3A_65 to %parallel_loop3A_66 step %parallel_loop3A_67  : i32 {
        %parallel_loop3A_90 = arith.constant 16 : i32
        %parallel_loop3A_91 = arith.muli %parallel_loop3A_89, %parallel_loop3A_90 : i32
        %parallel_loop3A_92 = arith.constant 8192 : i32
        %parallel_loop3A_93 = arith.addi %parallel_loop3A_92, %parallel_loop3A_91 : i32
        %parallel_loop3A_94 = arith.index_cast %parallel_loop3A_93 : i32 to index
        %parallel_loop3A_95 = tpu.vector_load %arg6[%parallel_loop3A_94] {strides = array<i32>} : memref<16384xi32, #tpu.memory_space<vmem>>, vector<16xi32>,
        %parallel_loop3A_96 = arith.sitofp %parallel_loop3A_95 : vector<16xi32> to vector<16xf32>
        %parallel_loop3A_97 = arith.constant 16 : i32
        %parallel_loop3A_98 = arith.muli %parallel_loop3A_89, %parallel_loop3A_97 : i32
        %parallel_loop3A_99 = arith.index_cast %parallel_loop3A_98 : i32 to index
        %parallel_loop3A_100 = tpu.vector_load %arg7[%parallel_loop3A_99] {strides = array<i32>} : memref<4096xf32, #tpu.memory_space<vmem>>, vector<16xf32>,
        tpu.vector_store %arg7[%parallel_loop3A_99], %parallel_loop3A_96 {strides = array<i32>} : memref<4096xf32, #tpu.memory_space<vmem>>, vector<16xf32>,
      } {sc.loop_unroll_factor = 16 : i64, sc.parallel_access}
      %dma_start3A_68 = arith.constant 8192 : i32
      %dma_start3A_69 = tpu.memref_slice %arg4[%div3A_27, %rem3A_28, %dma_start3A_68] : memref<26x32x16384xf32, #tpu.memory_space<hbm>> -> memref<1x1x4096xf32, #tpu.memory_space<hbm>>
      %dma_start3A_70 = tpu.memref_squeeze %dma_start3A_69 : memref<1x1x4096xf32, #tpu.memory_space<hbm>> -> memref<4096xf32, #tpu.memory_space<hbm>>
      %dma_start3A_71 = arith.constant 8192 : i32
      %dma_start3A_72 = tpu.memref_slice %arg4[%div3A_27, %rem3A_28, %dma_start3A_71] : memref<26x32x16384xf32, #tpu.memory_space<hbm>> -> memref<1x1x4096xf32, #tpu.memory_space<hbm>>
      %dma_start3A_73 = tpu.memref_squeeze %dma_start3A_72 : memref<1x1x4096xf32, #tpu.memory_space<hbm>> -> memref<4096xf32, #tpu.memory_space<hbm>>
      tpu.enqueue_dma source(%arg7 : memref<4096xf32, #tpu.memory_space<vmem>>) target(%dma_start3A_73 : memref<4096xf32, #tpu.memory_space<hbm>>) target_semaphore(%arg9 : memref<!tpu.dma_semaphore, #tpu.memory_space<semaphore_mem>>)
      %dma_wait3A_74 = arith.constant 12288 : i32
      %dma_wait3A_75 = tpu.memref_slice %arg4[%div3A_27, %rem3A_28, %dma_wait3A_74] : memref<26x32x16384xf32, #tpu.memory_space<hbm>> -> memref<1x1x4096xf32, #tpu.memory_space<hbm>>
      %dma_wait3A_76 = tpu.memref_squeeze %dma_wait3A_75 : memref<1x1x4096xf32, #tpu.memory_space<hbm>> -> memref<4096xf32, #tpu.memory_space<hbm>>
      %dma_wait3A_77 = arith.constant 12288 : i32
      %dma_wait3A_78 = tpu.memref_slice %arg4[%div3A_27, %rem3A_28, %dma_wait3A_77] : memref<26x32x16384xf32, #tpu.memory_space<hbm>> -> memref<1x1x4096xf32, #tpu.memory_space<hbm>>
      %dma_wait3A_79 = tpu.memref_squeeze %dma_wait3A_78 : memref<1x1x4096xf32, #tpu.memory_space<hbm>> -> memref<4096xf32, #tpu.memory_space<hbm>>
      tpu.wait_dma2 semaphore(%arg10 : memref<!tpu.dma_semaphore, #tpu.memory_space<semaphore_mem>>) src(%arg8 : memref<4096xf32, #tpu.memory_space<vmem>>) dst(%dma_wait3A_79 : memref<4096xf32, #tpu.memory_space<hbm>>)
      %parallel_loop3A_80 = arith.constant 0 : i32
      %parallel_loop3A_81 = arith.constant 0 : i32
      %parallel_loop3A_82 = arith.constant 1 : i32
      scf.for %parallel_loop3A_89 = %parallel_loop3A_80 to %parallel_loop3A_81 step %parallel_loop3A_82  : i32 {
        %parallel_loop3A_90 = arith.constant 16 : i32
        %parallel_loop3A_91 = arith.muli %parallel_loop3A_89, %parallel_loop3A_90 : i32
        %parallel_loop3A_92 = arith.constant 12288 : i32
        %parallel_loop3A_93 = arith.addi %parallel_loop3A_92, %parallel_loop3A_91 : i32
        %parallel_loop3A_94 = arith.index_cast %parallel_loop3A_93 : i32 to index
        %parallel_loop3A_95 = tpu.vector_load %arg6[%parallel_loop3A_94] {strides = array<i32>} : memref<16384xi32, #tpu.memory_space<vmem>>, vector<16xi32>,
        %parallel_loop3A_96 = arith.sitofp %parallel_loop3A_95 : vector<16xi32> to vector<16xf32>
        %parallel_loop3A_97 = arith.constant 16 : i32
        %parallel_loop3A_98 = arith.muli %parallel_loop3A_89, %parallel_loop3A_97 : i32
        %parallel_loop3A_99 = arith.index_cast %parallel_loop3A_98 : i32 to index
        %parallel_loop3A_100 = tpu.vector_load %arg8[%parallel_loop3A_99] {strides = array<i32>} : memref<4096xf32, #tpu.memory_space<vmem>>, vector<16xf32>,
        tpu.vector_store %arg8[%parallel_loop3A_99], %parallel_loop3A_96 {strides = array<i32>} : memref<4096xf32, #tpu.memory_space<vmem>>, vector<16xf32>,
      } {sc.loop_unroll_factor = 16 : i64, sc.parallel_access}
      %dma_start3A_83 = arith.constant 12288 : i32
      %dma_start3A_84 = tpu.memref_slice %arg4[%div3A_27, %rem3A_28, %dma_start3A_83] : memref<26x32x16384xf32, #tpu.memory_space<hbm>> -> memref<1x1x4096xf32, #tpu.memory_space<hbm>>
      %dma_start3A_85 = tpu.memref_squeeze %dma_start3A_84 : memref<1x1x4096xf32, #tpu.memory_space<hbm>> -> memref<4096xf32, #tpu.memory_space<hbm>>
      %dma_start3A_86 = arith.constant 12288 : i32
      %dma_start3A_87 = tpu.memref_slice %arg4[%div3A_27, %rem3A_28, %dma_start3A_86] : memref<26x32x16384xf32, #tpu.memory_space<hbm>> -> memref<1x1x4096xf32, #tpu.memory_space<hbm>>
      %dma_start3A_88 = tpu.memref_squeeze %dma_start3A_87 : memref<1x1x4096xf32, #tpu.memory_space<hbm>> -> memref<4096xf32, #tpu.memory_space<hbm>>
      tpu.enqueue_dma source(%arg8 : memref<4096xf32, #tpu.memory_space<vmem>>) target(%dma_start3A_88 : memref<4096xf32, #tpu.memory_space<hbm>>) target_semaphore(%arg10 : memref<!tpu.dma_semaphore, #tpu.memory_space<semaphore_mem>>)
      scf.yield %div3A_27 : i32
    }
    %scan3A_8 = arith.constant 26 : i32
    %dma_wait3A = arith.constant 0 : i32
    %dma_wait3A_9 = arith.constant 0 : i32
    %dma_wait3A_10 = arith.constant 0 : i32
    %dma_wait3A_11 = tpu.memref_slice %arg4[%dma_wait3A, %dma_wait3A_9, %dma_wait3A_10] : memref<26x32x16384xf32, #tpu.memory_space<hbm>> -> memref<1x1x4096xf32, #tpu.memory_space<hbm>>
    %dma_wait3A_12 = tpu.memref_squeeze %dma_wait3A_11 : memref<1x1x4096xf32, #tpu.memory_space<hbm>> -> memref<4096xf32, #tpu.memory_space<hbm>>
    %dma_wait3A_13 = arith.constant 0 : i32
    %dma_wait3A_14 = tpu.memref_slice %arg4[%dma_wait3A, %dma_wait3A_9, %dma_wait3A_13] : memref<26x32x16384xf32, #tpu.memory_space<hbm>> -> memref<1x1x4096xf32, #tpu.memory_space<hbm>>
    %dma_wait3A_15 = tpu.memref_squeeze %dma_wait3A_14 : memref<1x1x4096xf32, #tpu.memory_space<hbm>> -> memref<4096xf32, #tpu.memory_space<hbm>>
    tpu.wait_dma2 semaphore(%arg9 : memref<!tpu.dma_semaphore, #tpu.memory_space<semaphore_mem>>) src(%arg7 : memref<4096xf32, #tpu.memory_space<vmem>>) dst(%dma_wait3A_15 : memref<4096xf32, #tpu.memory_space<hbm>>)
    %dma_wait3A_16 = arith.constant 0 : i32
    %dma_wait3A_17 = arith.constant 0 : i32
    %dma_wait3A_18 = arith.constant 0 : i32
    %dma_wait3A_19 = tpu.memref_slice %arg4[%dma_wait3A_16, %dma_wait3A_17, %dma_wait3A_18] : memref<26x32x16384xf32, #tpu.memory_space<hbm>> -> memref<1x1x4096xf32, #tpu.memory_space<hbm>>
    %dma_wait3A_20 = tpu.memref_squeeze %dma_wait3A_19 : memref<1x1x4096xf32, #tpu.memory_space<hbm>> -> memref<4096xf32, #tpu.memory_space<hbm>>
    %dma_wait3A_21 = arith.constant 0 : i32
    %dma_wait3A_22 = tpu.memref_slice %arg4[%dma_wait3A_16, %dma_wait3A_17, %dma_wait3A_21] : memref<26x32x16384xf32, #tpu.memory_space<hbm>> -> memref<1x1x4096xf32, #tpu.memory_space<hbm>>
    %dma_wait3A_23 = tpu.memref_squeeze %dma_wait3A_22 : memref<1x1x4096xf32, #tpu.memory_space<hbm>> -> memref<4096xf32, #tpu.memory_space<hbm>>
    tpu.wait_dma2 semaphore(%arg10 : memref<!tpu.dma_semaphore, #tpu.memory_space<semaphore_mem>>) src(%arg8 : memref<4096xf32, #tpu.memory_space<vmem>>) dst(%dma_wait3A_23 : memref<4096xf32, #tpu.memory_space<hbm>>)
    return
  }
}

</mosaic_0001>

<sc_bundles>
// kernel: kernel.3.cloned.1.call-start
scs
__scs_entry_jumppad:
0x0: {  	(pc) =	sbr.rel $0x88, $3  }
0x1: {  	(tag) =	ssettag $0x0;
	lr =	simm.s32 $0x1  }
0x2: {  	[smem:$0x3F9F] =	sst lr;
	_ =	strace $0xD0000000  }
0x3: {  	_ = 	snop  }
0x4: {  	_ = 	snop  }
0x5: {  	_ = 	snop  }
0x6: {  	_ = 	snop  }
0x7: {  	_ = 	snop  }
__scs_overlays_trampoline_lowered:
0x8: {  	[smem:$0x3FAE] =	sst s0  }
0x9: {  	[smem:$0x3FAF] =	sst s1  }
0xa: {  	[smem:$0x3FB0] =	sst s2  }
0xb: {  	[smem:$0x3FB1] =	sst s3  }
0xc: {  	[smem:$0x3FB2] =	sst s4  }
0xd: {  	[smem:$0x3FB3] =	sst s5  }
0xe: {  	[smem:$0x3FB4] =	sst s6  }
0xf: {  	[smem:$0x3FB5] =	sst s7  }
0x10: {  	[smem:$0x3FB6] =	sst s8  }
0x11: {  	[smem:$0x3FB7] =	sst s9;
	s0 =	simm.s32 @!p0 $0x0  }
0x12: {  	s1 =	sld [smem:$0x3F9D];
	s0 =	simm.s32 @p0 $0x1  }
0x13: {  	[smem:$0x3FB8] =	sst s0;
	s0 =	simm.s32 @!p1 $0x0  }
0x14: {  	s2 =	sld [smem:$0x3F9C];
	s0 =	simm.s32 @p1 $0x1  }
0x15: {  	[smem:$0x3FB9] =	sst s0;
	s0 =	simm.s32 @!p2 $0x0  }
0x16: {  	s3 =	sld [smem:$0x3FDB];
	s0 =	simm.s32 @p2 $0x1  }
0x17: {  	s4 =	simm.s32 $0x1BF5;
	[smem:$0x3FBB] =	sst s0  }
0x18: {  	s0 =	sld [smem:$0x3F9E];
	_ =	swait.ge [sflag:s4], $0x0  }
0x19: {  	s7 =	sld [smem:$0x3F9F]  }
0x1a: {  	s8 =	sadd.s32 $0xFFFFE003, lr  }
0x1b: {  	s9 =	sadd.s32 $0xFFFFFEF7, lr;
	s5 =	simm.s32 $0xFFFFFFFF;
	p2 =	slt.u32 s8, $0xFFFFF086  }
0x1c: {  	p1 =	slt.u32 s9, $0xF7A;
	s5 =	simm.s32 @!p2 $0x0  }
0x1d: {  	s5 =	simm.s32 @p1 $0x1;
	p0 =	seq.s32 s7, s2  }
0x1e: {  	s7 =	smul.u32 @!p0 $0xF7A, s2;
	p2 =	seq.s32 @!p0 s5, $0x0  }
0x1f: {  	s9 =	smul.u32 $0xF7A, s1;
	s8 =	simm.s32 @!p0 $0x1BF5;
	p2 =	por !p2, p0  }
0x20: {  	[sflag:s8] =	ssyncset.s32 @!p0 $0xFFFFF086;
	s6 =	sadd.s32 @!p0 s3, s7;
	s7 =	simm.s32 @!p0 $0x108  }
0x21: {  	s3 =	sadd.s32 s3, s9;
	s6 =	sadd.s32 @!p0 $0x88, s6;
	s7 =	simm.s32 @p2 $0x1082  }
0x22: {  	[simem:s7], [sflag:s8] =	dma.local @!p0 [hbm:s6], $0xF7A  }
0x23: {  	s9 =	sor.u32 $0xD0000000, s2;
	s6 =	simm.s32 $0x108;
	_ =	swait.ge @!p0 [sflag:s8], $0x0  }
0x24: {  	s3 =	sadd.s32 $0x88, s3;
	s6 =	simm.s32 @!p1 $0x1082;
	[sflag:s4] =	ssyncset.s32 $0xFFFFF086  }
0x25: {  	[simem:s6], [sflag:s4] =	dma.local [hbm:s3], $0xF7A  }
0x26: {  	[smem:$0x3F9F] =	sst s1;
	(tag) =	ssettag s2;
	_ =	strace s9  }
0x27: {  	s1 =	sld [smem:$0x3FAF]  }
0x28: {  	s2 =	sld [smem:$0x3FB0]  }
0x29: {  	s4 =	sld [smem:$0x3FB2]  }
0x2a: {  	p0 =	seq.s32 s5, $0x0;
	s5 =	sld [smem:$0x3FB3]  }
0x2b: {  	s6 =	sld [smem:$0x3FB4]  }
0x2c: {  	s7 =	sld [smem:$0x3FB5]  }
0x2d: {  	s3 =	simm.s32 $0x108;
	s8 =	sld [smem:$0x3FB6]  }
0x2e: {  	s3 =	simm.s32 @!p0 $0x1082;
	s9 =	sld [smem:$0x3FB7]  }
0x2f: {  	lr =	sadd.s32 s0, s3;
	s0 =	sld [smem:$0x3FAE]  }
0x30: {  	s3 =	sld [smem:$0x3FB1]  }
0x31: {  	[smem:$0x3FBA] =	sst s10  }
0x32: {  	s10 =	sld [smem:$0x3FB8];
	_ =	sdelay $0x3  }
0x33: {  	p0 =	seq.s32 s10, $0x1;
	s10 =	sld [smem:$0x3FBA];
	_ =	sdelay $0x3  }
0x34: {  	[smem:$0x3FBA] =	sst s10  }
0x35: {  	s10 =	sld [smem:$0x3FB9];
	_ =	sdelay $0x3  }
0x36: {  	p1 =	seq.s32 s10, $0x1;
	s10 =	sld [smem:$0x3FBA];
	_ =	sdelay $0x3  }
0x37: {  	[smem:$0x3FBA] =	sst s10  }
0x38: {  	s10 =	sld [smem:$0x3FBB]  }
0x39: {  	_ = 	snop;
	(pc) =	sbr.ind lr, $3  }
0x3a: {  	_ = 	snop  }
0x3b: {  	_ = 	snop  }
0x3c: {  	p2 =	seq.s32 s10, $0x1;
	s10 =	sld [smem:$0x3FBA]  }
0x3d: {  	_ =	shalt  }
0x3e: {  	_ =	shalt  }
0x3f: {  	_ =	shalt  }
0x40: {  	_ =	shalt  }
0x41: {  	_ =	shalt  }
0x42: {  	_ =	shalt  }
0x43: {  	_ =	shalt  }
0x44: {  	_ =	shalt  }
0x45: {  	_ =	shalt  }
0x46: {  	_ =	shalt  }
0x47: {  	_ =	shalt  }
0x48: {  	_ =	shalt  }
0x49: {  	_ =	shalt  }
0x4a: {  	_ =	shalt  }
0x4b: {  	_ =	shalt  }
0x4c: {  	_ =	shalt  }
0x4d: {  	_ =	shalt  }
0x4e: {  	_ =	shalt  }
0x4f: {  	_ =	shalt  }
0x50: {  	_ =	shalt  }
0x51: {  	_ =	shalt  }
0x52: {  	_ =	shalt  }
0x53: {  	_ =	shalt  }
0x54: {  	_ =	shalt  }
0x55: {  	_ =	shalt  }
0x56: {  	_ =	shalt  }
0x57: {  	_ =	shalt  }
0x58: {  	_ =	shalt  }
0x59: {  	_ =	shalt  }
0x5a: {  	_ =	shalt  }
0x5b: {  	_ =	shalt  }
0x5c: {  	_ =	shalt  }
0x5d: {  	_ =	shalt  }
0x5e: {  	_ =	shalt  }
0x5f: {  	_ =	shalt  }
0x60: {  	_ =	shalt  }
0x61: {  	_ =	shalt  }
0x62: {  	_ =	shalt  }
0x63: {  	_ =	shalt  }
0x64: {  	_ =	shalt  }
0x65: {  	_ =	shalt  }
0x66: {  	_ =	shalt  }
0x67: {  	_ =	shalt  }
0x68: {  	_ =	shalt  }
0x69: {  	_ =	shalt  }
0x6a: {  	_ =	shalt  }
0x6b: {  	_ =	shalt  }
0x6c: {  	_ =	shalt  }
0x6d: {  	_ =	shalt  }
0x6e: {  	_ =	shalt  }
0x6f: {  	_ =	shalt  }
0x70: {  	_ =	shalt  }
0x71: {  	_ =	shalt  }
0x72: {  	_ =	shalt  }
0x73: {  	_ =	shalt  }
0x74: {  	_ =	shalt  }
0x75: {  	_ =	shalt  }
0x76: {  	_ =	shalt  }
0x77: {  	_ =	shalt  }
0x78: {  	_ =	shalt  }
0x79: {  	_ =	shalt  }
0x7a: {  	_ =	shalt  }
0x7b: {  	_ =	shalt  }
0x7c: {  	_ =	shalt  }
0x7d: {  	_ =	shalt  }
0x7e: {  	_ =	shalt  }
0x7f: {  	_ =	shalt  }
0x80: {  	_ =	shalt  }
0x81: {  	_ =	shalt  }
0x82: {  	_ =	shalt  }
0x83: {  	_ =	shalt  }
0x84: {  	_ =	shalt  }
0x85: {  	_ =	shalt  }
0x86: {  	_ =	shalt  }
0x87: {  	_ =	shalt  }
.Lfunc_end0:
.L_simem_size_0:
called_computation_lowered:
.L_overlay_start_0:
0x88: {  	s2 =	sld [smem:$0x3FD9]  }
0x89: {  	s3 =	sld [smem:$0x3FFE];
	_ =	sdelay $0x1  }
0x8a: {  	s1 =	srdreg.scid  }
0x8b: {  	s0 =	sand.u32 $0x1, s1  }
0x8c: {  	s18 =	sshll.u32 s0, $0xA;
	s2 =	sadd.s32 s3, s2  }
0x8d: {  	s2 =	sadd.s32 s2, s18  }
0x8e: {  	[smem:$0x3FC6] =	sst s2  }
0x8f: {  	_ = 	snop  }
0x90: {  	s2 =	sld [smem:$0x3FC9]  }
0x91: {  	s19 =	sld [smem:$0x3FC8]  }
0x92: {  	s4 =	sld [smem:$0x3FD0];
	(tm) =	ssettm $0x1  }
0x93: {  	s5 =	sld [smem:$0x3FFB];
	_ =	sdelay $0x3  }
0x94: {  	_ =	strace s5  }
0x95: {  	s5 =	sld [smem:$0x3FFC];
	_ =	sdelay $0x3  }
0x96: {  	_ =	strace s5  }
0x97: {  	s5 =	sld [smem:$0x3FFD];
	_ =	sdelay $0x3  }
0x98: {  	_ =	strace s5  }
0x99: {  	_ =	strace $0x8FFFFFFF  }
0x9a: {  	s20 =	sld [smem:$0x3FDB];
	_ =	sdelay $0x1  }
0x9b: {  	s6 =	simm.s32 $_scs_section_size  }
0x9c: {  	s7 =	simm.s32 $_size__tile_overlayer_lowered;
	s8 =	simm.s32 $_tile_overlayer_lowered  }
0x9d: {  	s23 =	simm.s32 $0x1BFF;
	s22 =	sshll.u32 s8, $0x1;
	s5 =	sadd.s32 s6, s20  }
0x9e: {  	s9 =	simm.s32 $0x0;
	s21 =	sshll.u32 s7, $0x1;
	s7 =	sadd.s32 s22, s5  }
0x9f: {  	[timem:s9], [sflag:s23] =	dma.local [hbm:s7], s21  }
0xa0: {  	_ =	swait.ge [sflag:s23], s21  }
0xa1: {  	s6 =	ssub.s32 $0x0, s21;
	[sflag:s23] =	ssyncset.done $0x0  }
0xa2: {  	[sflag:s23] =	ssyncadd.s32 s6;
	_ =	sdelay $0x1  }
0xa3: {  	s24 =	simm.s32 $0x1B8B  }
0xa4: {  	_ =	swait.ge [sflag:s24], $0x1  }
0xa5: {  	[sflag:s24] =	ssyncset.done $0x0  }
0xa6: {  	s25 =	simm.s32 $0x1B8E;
	[sflag:s24] =	ssyncadd.s32 $0xFFFFFFFF  }
0xa7: {  	s26 =	simm.s32 $execute0_lowered;
	[smem:$0x3FD2] =	sst s25  }
0xa8: {  	s6 =	sshll.u32 s26, $0x1;
	_ =	strace $0x80000046;
	[dreg:$0x1] =	wrdreg $0xFFFFFFFF  }
0xa9: {  	s28 =	simm.s32 $_size_execute0_lowered;
	s5 =	sadd.s32 s5, s6;
	[dreg:$0x0] =	wrdreg $0x0  }
0xaa: {  	s6 =	sshll.u32 s28, $0x1;
	[dreg:$0x2] =	wrdreg s5  }
0xab: {  	[dreg:$0x3] =	wrdreg s6  }
0xac: {  	[dreg:$0x4] =	wrdreg $0xC0  }
0xad: {  	_ =	task [dreg:s9], $0x5FFFF  }
0xae: {  	[dreg:$0x1] =	wrdreg $0xFFFFFFFF  }
0xaf: {  	[dreg:$0x0] =	wrdreg $0x60  }
0xb0: {  	[dreg:$0x2] =	wrdreg s2  }
0xb1: {  	[dreg:$0x3] =	wrdreg s19  }
0xb2: {  	[dreg:$0x4] =	wrdreg s4  }
0xb3: {  	[dreg:$0x5] =	wrdreg $0x9  }
0xb4: {  	_ =	task.clear_ibuf [dreg:s9], $0x6FFFF;
	_ =	strace $0x90000046  }
0xb5: {  	s29 =	simm.s32 $0x9;
	_ =	strace $0x80000048  }
0xb6: {  	_ =	swait.ge [sflag:s29], $0x1  }
0xb7: {  	[sflag:s29] =	ssyncadd.s32 $0xFFFFFFFF  }
0xb8: {  	_ =	strace $0x90000048  }
0xb9: {  	_ =	sfence  }
0xba: {  	s30 =	sld [smem:$0x0];
	_ =	sdelay $0x2  }
0xbb: {  	s31 =	sshll.u32 s1, $0xD;
	s1 =	sshrl.u32 s1, $0x2  }
0xbc: {  	s3 =	sand.u32 $0x4000, s31;
	s1 =	sadd.s32 s1, s30  }
0xbd: {  	s0 =	sor.u32 s3, s0;
	s1 =	sshll.u32 s1, $0x11  }
0xbe: {  	s0 =	sor.u32 s1, s0  }
0xbf: {  	s0 =	sadd.s32 $0x8F2B, s0  }
0xc0: {  	[sflag:s0] =	ssyncadd.remote.s32 $0x1  }
0xc1: {  	_ =	sfence.sel $0xFFFF  }
0xc2: {  	[dreg:$0x0] =	wrdreg $0xFFFFFFFF;
	(pc) =	sbr.abs _section_cstart, $3  }
0xc3: {  	[dreg:$0x1] =	wrdreg $0xFFFFFFFF  }
0xc4: {  	_ =	task.clear_ibuf [dreg:s9], $0x2FFFF;
	_ =	strace $0x9FFFFFFF  }
0xc5: {  	(tm) =	ssettm $0x7FFFFFFF  }
tec
execute0_lowered:
.L_overlay_start_1:
0x0: {  	(tag) =	ssettag $0x1  }
0x1: {  	s0 =	rddreg [dreg:$0x0]  }
0x2: {  	s28 =	rddreg [dreg:$0x1]  }
0x3: {  	s1 =	srdreg.scid;
	s2 =	rddreg [dreg:$0x2]  }
0x4: {  	s3 =	simm.s32 $0x0;
	s7 =	simm.s32 $0x400;
	s8 =	simm.s32 $0x1C400  }
0x5: {  	s9 =	simm.s32 $0x1D400;
	s10 =	simm.s32 $0x1;
	[dreg:$0x5] =	wrdreg s0  }
0x6: {  	s11 =	simm.s32 $0x2;
	s12 =	simm.s32 $0x0;
	[dreg:$0x6] =	wrdreg s28  }
0x7: {  	s0 =	stileid.u32;
	s4 =	sand.u32 $0x1, s1;
	s1 =	rddreg [dreg:$0x3]  }
0x8: {  	[smem:$0x7FF] =	sst s3;
	s29 =	sadd.s32 $0x1000, s2;
	s30 =	sadd.s32 $0x2000, s2  }
0x9: {  	s31 =	sadd.s32 $0x3000, s2;
	s5 =	sshll.u32 s0, $0x1;
	_ =	strace $0x80000047  }
0xa: {  	[dreg:$0x7] =	wrdreg s29;
	s5 =	sor.u32 s4, s5;
	s4 =	ssub.s32 $0x2, s4  }
0xb: {  	[dreg:$0x8] =	wrdreg s30;
	s5 =	smul.u32 $0x1A, s5;
	s6 =	sshrl.u32 s4, $0x1  }
0xc: {  	[dreg:$0x9] =	wrdreg s31;
	s4 =	ssub.s32 s4, s6;
	s6 =	simm.s32 $0x80  }
0xd: {  	[dreg:$0x4] =	wrdreg s5;
	s4 =	smax.u32 s4, $0x1;
	s5 =	simm.s32 $0x3  }
.LBB2_1:
0xe: {  	s13 =	rddreg [dreg:$0x4]  }
0xf: {  	s13 =	sadd.s32 $0x0, s13  }
0x10: {  	s15 =	rddreg [dreg:$0x5];
	s14 =	sshrl.u32 s13, $0x5  }
0x11: {  	s13 =	sand.u32 $0x1F, s13;
	p0 =	seq.s32 s14, $0xFFFFFFFF;
	s16 =	smul.u32 $0x30E000, s14  }
0x12: {  	s19 =	sshrl.u32 s13, $0x3;
	s17 =	sshll.u32 @!p0 s14, $0xB;
	s18 =	sshll.u32 @!p0 s14, $0x4  }
0x13: {  	s20 =	simm.s32 @!p0 $0x3;
	s21 =	simm.s32 @!p0 $0x400;
	s18 =	sand.u32 @!p0 $0x70, s18  }
0x14: {  	s22 =	smul.u32 $0xC3800, s19;
	s17 =	sand.u32 @!p0 $0xFFFC000, s17;
	s15 =	sadd.s32 @!p0 s15, s18  }
0x15: {  	s18 =	simm.s32 @!p0 $0x18400;
	s15 =	sadd.s32 @!p0 s17, s15;
	s17 =	simm.s32 @!p0 $0x80  }
0x16: {  	[tilespmem:s18], [sflag:$0x3] =	stream.strided.gather @!p0 [hbm4b:s15+s17], $0x4000, s21, s17, $0x38;
	[tilespmem:$0x1E400] =	vst v63  }
0x17: {  	s15 =	sadd.s32 s16, s22;
	_ =	swait.ge @!p0 [sflag:s20], $0x4000  }
0x18: {  	s15 =	sshrl.u32 s15, $0x3;
	s23 =	rddreg [dreg:$0x6];
	[sflag:s20] =	ssyncset.done @!p0 $0x0  }
0x19: {  	[sflag:s20] =	ssyncadd.s32 @!p0 $0xFFFFC000;
	s15 =	sadd.s32 s23, s15  }
0x1a: {  	[tilespmem:s3], [sflag:$0x3] =	stream.linear.gather [hbm4b:s15+s3], $0x18400, $0x38;
	[tilespmem:$0x1E400] =	vst v63  }
0x1b: {  	s24 =	sshll.u32 s14, $0x10;
	s25 =	sshll.u32 s13, $0xB;
	_ =	swait.ge [sflag:s5], $0x18400  }
0x1c: {  	s13 =	sshll.u32 s13, $0x4;
	p0 =	por $0x1, $0x1;
	[sflag:s5] =	ssyncset.done $0x0  }
0x1d: {  	s16 =	sand.u32 $0xC000, s25;
	s17 =	simm.s32 @!p0 $0x1;
	[sflag:s5] =	ssyncadd.s32 $0xFFFE7C00  }
0x1e: {  	s13 =	sand.u32 $0x70, s13;
	s15 =	sor.u32 s24, s16;
	_ =	swait.ge @!p0 [sflag:s17], $0x1000  }
0x1f: {  	s26 =	sor.u32 s13, s15;
	[sflag:s17] =	ssyncset.done @!p0 $0x0  }
0x20: {  	s15 =	simm.s32 @!p0 $0x2;
	s13 =	sadd.s32 s2, s26;
	[sflag:s17] =	ssyncadd.s32 @!p0 $0xFFFFF000  }
0x21: {  	[hbm4b:s13+s6] =	stream.strided.scatter [tilespmem:s8], [sflag:$0x1], $0x1000, s7, s6, $0x38;
	[tilespmem:$0x1E400] =	vst v63  }
0x22: {  	_ =	swait.ge @!p0 [sflag:s15], $0x1000  }
0x23: {  	s28 =	rddreg [dreg:$0x7];
	[sflag:s15] =	ssyncset.done @!p0 $0x0  }
0x24: {  	[sflag:s15] =	ssyncadd.s32 @!p0 $0xFFFFF000;
	s13 =	sadd.s32 s26, s28  }
0x25: {  	[hbm4b:s13+s6] =	stream.strided.scatter [tilespmem:s9], [sflag:$0x2], $0x1000, s7, s6, $0x38;
	[tilespmem:$0x1E400] =	vst v63  }
0x26: {  	s29 =	rddreg [dreg:$0x8];
	_ =	swait.ge [sflag:s10], $0x1000  }
0x27: {  	[sflag:s10] =	ssyncset.done $0x0  }
0x28: {  	s30 =	sadd.s32 s26, s29;
	[sflag:s10] =	ssyncadd.s32 $0xFFFFF000  }
0x29: {  	[hbm4b:s30+s6] =	stream.strided.scatter [tilespmem:s8], [sflag:$0x1], $0x1000, s7, s6, $0x38;
	[tilespmem:$0x1E400] =	vst v63  }
0x2a: {  	s31 =	rddreg [dreg:$0x9];
	_ =	swait.ge [sflag:s11], $0x1000  }
0x2b: {  	s15 =	simm.s32 $0x2;
	s13 =	simm.s32 $0x1;
	[sflag:s11] =	ssyncset.done $0x0  }
0x2c: {  	s17 =	sadd.s32 s26, s31;
	s16 =	rddreg [dreg:$0x4];
	[sflag:s11] =	ssyncadd.s32 $0xFFFFF000  }
.LBB2_2:
0x2d: {  	[hbm4b:s17+s6] =	stream.strided.scatter [tilespmem:s9], [sflag:$0x2], $0x1000, s7, s6, $0x38;
	[tilespmem:$0x1E400] =	vst v63  }
0x2e: {  	s16 =	sadd.s32 s13, s16  }
0x2f: {  	s18 =	sshrl.u32 s16, $0x5;
	s16 =	sand.u32 $0x1F, s16  }
0x30: {  	p1 =	seq.s32 s18, s14;
	s14 =	rddreg [dreg:$0x5];
	s19 =	smul.u32 $0x30E000, s18  }
0x31: {  	s22 =	sshrl.u32 s16, $0x3;
	s20 =	sshll.u32 @!p1 s18, $0xB;
	s21 =	sshll.u32 @!p1 s18, $0x4  }
0x32: {  	s24 =	simm.s32 @!p1 $0x3;
	s25 =	simm.s32 @!p1 $0x400;
	s21 =	sand.u32 @!p1 $0x70, s21  }
0x33: {  	s31 =	smul.u32 $0xC3800, s22;
	s20 =	sand.u32 @!p1 $0xFFFC000, s20;
	s14 =	sadd.s32 @!p1 s14, s21  }
0x34: {  	s21 =	simm.s32 @!p1 $0x18400;
	s14 =	sadd.s32 @!p1 s20, s14;
	s20 =	simm.s32 @!p1 $0x80  }
0x35: {  	[tilespmem:s21], [sflag:$0x3] =	stream.strided.gather @!p1 [hbm4b:s14+s20], $0x4000, s25, s20, $0x38;
	[tilespmem:$0x1E400] =	vst v63  }
0x36: {  	_ =	swait.ge @!p1 [sflag:s24], $0x4000  }
0x37: {  	s14 =	sadd.s32 s19, s31;
	[sflag:s24] =	ssyncset.done @!p1 $0x0  }
0x38: {  	s22 =	rddreg [dreg:$0x6];
	[sflag:s24] =	ssyncadd.s32 @!p1 $0xFFFFC000;
	s24 =	sshrl.u32 s14, $0x3  }
0x39: {  	s25 =	sadd.s32 s22, s24  }
0x3a: {  	[tilespmem:s3], [sflag:$0x3] =	stream.linear.gather [hbm4b:s25+s3], $0x18400, $0x38;
	[tilespmem:$0x1E400] =	vst v63  }
0x3b: {  	s23 =	sshll.u32 s18, $0x10;
	s21 =	sshll.u32 s16, $0xB;
	_ =	swait.ge [sflag:s5], $0x18400  }
0x3c: {  	s16 =	sshll.u32 s16, $0x4;
	p1 =	seq.s32 s13, $0x0;
	[sflag:s5] =	ssyncset.done $0x0  }
0x3d: {  	s20 =	sand.u32 $0xC000, s21;
	s17 =	simm.s32 @!p1 $0x1;
	[sflag:s5] =	ssyncadd.s32 $0xFFFE7C00  }
0x3e: {  	s16 =	sand.u32 $0x70, s16;
	s23 =	sor.u32 s23, s20;
	_ =	swait.ge @!p1 [sflag:s17], $0x1000  }
0x3f: {  	s26 =	sor.u32 s16, s23;
	[sflag:s17] =	ssyncset.done @!p1 $0x0  }
0x40: {  	s16 =	sadd.s32 s2, s26;
	[sflag:s17] =	ssyncadd.s32 @!p1 $0xFFFFF000;
	s17 =	simm.s32 @!p1 $0x2  }
0x41: {  	[hbm4b:s16+s6] =	stream.strided.scatter [tilespmem:s8], [sflag:$0x1], $0x1000, s7, s6, $0x38;
	[tilespmem:$0x1E400] =	vst v63  }
0x42: {  	_ =	swait.ge @!p1 [sflag:s17], $0x1000  }
0x43: {  	s28 =	rddreg [dreg:$0x7];
	[sflag:s17] =	ssyncset.done @!p1 $0x0  }
0x44: {  	s30 =	smov.u32 s15;
	[sflag:s17] =	ssyncadd.s32 @!p1 $0xFFFFF000;
	s16 =	sadd.s32 s26, s28  }
0x45: {  	[hbm4b:s16+s6] =	stream.strided.scatter [tilespmem:s9], [sflag:$0x2], $0x1000, s7, s6, $0x38;
	[tilespmem:$0x1E400] =	vst v63  }
0x46: {  	s15 =	sadd.s32 $0x1, s15;
	s29 =	rddreg [dreg:$0x8];
	_ =	swait.ge [sflag:s10], $0x1000  }
0x47: {  	p0 =	sne.s32 s15, $0x1A;
	s13 =	smov.u32 s30;
	[sflag:s10] =	ssyncset.done $0x0  }
.Ltmp0:
0x48: {  	s30 =	sadd.s32 s26, s29;
	[sflag:s10] =	ssyncadd.s32 $0xFFFFF000;
	(pc) =	sbr.rel @p0 .LBB2_2-.Ltmp0, $4  }
0x49: {  	[hbm4b:s30+s6] =	stream.strided.scatter [tilespmem:s8], [sflag:$0x1], $0x1000, s7, s6, $0x38;
	[tilespmem:$0x1E400] =	vst v63  }
0x4a: {  	s31 =	rddreg [dreg:$0x9];
	_ =	swait.ge [sflag:s11], $0x1000  }
0x4b: {  	s14 =	smov.u32 s18;
	[sflag:s11] =	ssyncset.done $0x0  }
0x4c: {  	s17 =	sadd.s32 s26, s31;
	s16 =	rddreg [dreg:$0x4];
	[sflag:s11] =	ssyncadd.s32 $0xFFFFF000  }
0x4d: {  	[hbm4b:s17+s6] =	stream.strided.scatter [tilespmem:s9], [sflag:$0x2], $0x1000, s7, s6, $0x38;
	[tilespmem:$0x1E400] =	vst v63  }
0x4e: {  	s15 =	sadd.s32 s13, s16  }
0x4f: {  	s16 =	sshrl.u32 s15, $0x5  }
0x50: {  	s15 =	sand.u32 $0x1F, s15;
	p0 =	seq.s32 s16, s14  }
0x51: {  	s14 =	rddreg [dreg:$0x5];
	s31 =	smul.u32 $0x30E000, s16;
	s19 =	sshll.u32 @!p0 s16, $0x4  }
0x52: {  	s20 =	sshrl.u32 s15, $0x3;
	s18 =	sshll.u32 @!p0 s16, $0xB;
	s19 =	sand.u32 @!p0 $0x70, s19  }
0x53: {  	s22 =	simm.s32 @!p0 $0x400;
	s18 =	sand.u32 @!p0 $0xFFFC000, s18;
	s14 =	sadd.s32 @!p0 s14, s19  }
0x54: {  	s19 =	simm.s32 @!p0 $0x18400;
	s14 =	sadd.s32 @!p0 s18, s14;
	s18 =	simm.s32 @!p0 $0x80  }
0x55: {  	[tilespmem:s19], [sflag:$0x3] =	stream.strided.gather @!p0 [hbm4b:s14+s18], $0x4000, s22, s18, $0x38;
	[tilespmem:$0x1E400] =	vst v63  }
0x56: {  	s22 =	smul.u32 $0xC3800, s20  }
0x57: {  	s21 =	simm.s32 @!p0 $0x3  }
0x58: {  	_ =	swait.ge @!p0 [sflag:s21], $0x4000;
	s14 =	sadd.s32 s31, s22  }
0x59: {  	s23 =	rddreg [dreg:$0x6];
	[sflag:s21] =	ssyncset.done @!p0 $0x0;
	s14 =	sshrl.u32 s14, $0x3  }
0x5a: {  	[sflag:s21] =	ssyncadd.s32 @!p0 $0xFFFFC000;
	s14 =	sadd.s32 s23, s14  }
0x5b: {  	[tilespmem:s3], [sflag:$0x3] =	stream.linear.gather [hbm4b:s14+s3], $0x18400, $0x38;
	[tilespmem:$0x1E400] =	vst v63  }
0x5c: {  	s24 =	sshll.u32 s16, $0x10;
	s25 =	sshll.u32 s15, $0xB;
	_ =	swait.ge [sflag:s5], $0x18400  }
0x5d: {  	s26 =	sshll.u32 s15, $0x4;
	p0 =	seq.s32 s13, $0x0;
	[sflag:s5] =	ssyncset.done $0x0  }
0x5e: {  	s16 =	sand.u32 $0xC000, s25;
	s15 =	simm.s32 @!p0 $0x1;
	[sflag:s5] =	ssyncadd.s32 $0xFFFE7C00  }
0x5f: {  	s13 =	sand.u32 $0x70, s26;
	s14 =	sor.u32 s24, s16;
	_ =	swait.ge @!p0 [sflag:s15], $0x1000  }
0x60: {  	s13 =	sor.u32 s13, s14;
	[sflag:s15] =	ssyncset.done @!p0 $0x0  }
0x61: {  	s14 =	sadd.s32 s2, s13;
	[sflag:s15] =	ssyncadd.s32 @!p0 $0xFFFFF000;
	s15 =	simm.s32 @!p0 $0x2  }
0x62: {  	[hbm4b:s14+s6] =	stream.strided.scatter [tilespmem:s8], [sflag:$0x1], $0x1000, s7, s6, $0x38;
	[tilespmem:$0x1E400] =	vst v63  }
0x63: {  	_ =	swait.ge @!p0 [sflag:s15], $0x1000  }
0x64: {  	s28 =	rddreg [dreg:$0x7];
	[sflag:s15] =	ssyncset.done @!p0 $0x0  }
0x65: {  	[sflag:s15] =	ssyncadd.s32 @!p0 $0xFFFFF000;
	s14 =	sadd.s32 s13, s28  }
0x66: {  	[hbm4b:s14+s6] =	stream.strided.scatter [tilespmem:s9], [sflag:$0x2], $0x1000, s7, s6, $0x38;
	[tilespmem:$0x1E400] =	vst v63  }
0x67: {  	s29 =	rddreg [dreg:$0x8];
	_ =	swait.ge [sflag:s10], $0x1000  }
0x68: {  	[sflag:s10] =	ssyncset.done $0x0  }
0x69: {  	s30 =	sadd.s32 s13, s29;
	[sflag:s10] =	ssyncadd.s32 $0xFFFFF000  }
0x6a: {  	[hbm4b:s30+s6] =	stream.strided.scatter [tilespmem:s8], [sflag:$0x1], $0x1000, s7, s6, $0x38;
	[tilespmem:$0x1E400] =	vst v63  }
0x6b: {  	s31 =	rddreg [dreg:$0x9];
	_ =	swait.ge [sflag:s11], $0x1000  }
0x6c: {  	[sflag:s11] =	ssyncset.done $0x0  }
0x6d: {  	s12 =	sadd.s32 $0x1, s12;
	s13 =	sadd.s32 s13, s31;
	[sflag:s11] =	ssyncadd.s32 $0xFFFFF000  }
0x6e: {  	[hbm4b:s13+s6] =	stream.strided.scatter [tilespmem:s9], [sflag:$0x2], $0x1000, s7, s6, $0x38;
	[tilespmem:$0x1E400] =	vst v63  }
0x6f: {  	p0 =	sne.s32 s12, s4;
	_ =	swait.ge [sflag:s10], $0x1000  }
.Ltmp1:
0x70: {  	[sflag:s10] =	ssyncset.done $0x0;
	(pc) =	sbr.rel @p0 .LBB2_1-.Ltmp1, $4  }
0x71: {  	[sflag:s10] =	ssyncadd.s32 $0xFFFFF000  }
0x72: {  	_ =	swait.ge [sflag:s11], $0x1000  }
0x73: {  	[sflag:s11] =	ssyncset.done $0x0  }
0x74: {  	[sflag:s11] =	ssyncadd.s32 $0xFFFFF000  }
0x75: {  	_ =	sfence.sel $0x180000  }
0x76: {  	[bflag:$0x0] =	sbarrier.arrive $0xFFFF  }
0x77: {  	p0 =	sne.s32 s0, $0x0;
	_ =	strace $0x90000047  }
0x78: {  	s0 =	sadd.s32 @!p0 $0x100000, s1;
	[bflag:$0x2] =	sbarrier.arrive $0xFFFF  }
0x79: {  	[sflag:s0] =	ssyncadd.tile.s32 @!p0 $0x1;
	_ =	shalt  }
.Lfunc_end2:
_tile_overlayer_lowered:
.L_overlay_start_2:
0x7a: {  	(tag) =	ssettag $0x2  }
0x7b: {  	s0 =	rddreg [dreg:$0x0];
	s2 =	stileid.u32  }
0x7c: {  	s1 =	rddreg [dreg:$0x1];
	p0 =	sne.s32 s2, $0x0  }
0x7d: {  	s3 =	rddreg [dreg:$0x2];
	[bflag:$0x3] =	sbarrier.arrive $0xFFFF;
	s2 =	simm.s32 @!p0 $0x1C03  }
0x7e: {  	[timem:s3], [sflag:s2] =	dma.local @!p0 [hbm:s0], s1  }
0x7f: {  	s0 =	simm.s32 @!p0 $0x3  }
0x80: {  	_ =	swait.ge @!p0 [sflag:s0], s1  }
0x81: {  	s1 =	ssub.s32 @!p0 $0x0, s1;
	[sflag:s0] =	ssyncset.done @!p0 $0x0  }
0x82: {  	[sflag:s0] =	ssyncadd.s32 @!p0 s1  }
0x83: {  	[bflag:$0x3] =	sbarrier.arrive $0xFFFF  }
0x84: {  	_ =	shalt  }

</sc_bundles>
